<compile_context>
chip_gen: v7x
topology: tpu7x:2x2x1
jax: 0.10.2.dev20260603
libtpu: 0.0.44.dev20260713+nightly
codegen_flags: <defaults>
</compile_context>

<pallas_src>
import jax
import jax.numpy as jnp
from jax.experimental import pallas as pl
from jax.experimental.pallas import tpu as pltpu
from jax.experimental.pallas import tpu_sc as plsc

_L = 32
_H = 16
_T = _L * _L

_BQ = 2


def _sc_expand_body(b0_hbm, b1_hbm, e01_hbm, b0_v, b1_v, row0_v, row1_v):
    c = jax.lax.axis_index("c")
    s = jax.lax.axis_index("s")
    w = s * 2 + c
    pltpu.sync_copy(b0_hbm, b0_v)
    pltpu.sync_copy(b1_hbm, b1_v)
    _build_rows(w, b0_v, b1_v, row0_v, row1_v)
    pltpu.sync_copy(row0_v, e01_hbm.at[0, w])
    pltpu.sync_copy(row1_v, e01_hbm.at[1, w])


def _build_rows(w, b0_v, b1_v, row0_v, row1_v):
    def h_body(h, _):
        v_lo = b1_v[h, pl.ds(_L - w, 16)]
        v_hi = b1_v[h, pl.ds(_L - w + 16, 16)]

        def k_lo(k0, _):
            row1_v[h, pl.ds(k0 * _L, 16)] = v_lo
            row1_v[h, pl.ds(k0 * _L + 16, 16)] = v_hi
            tv_src = b0_v[h, pl.ds(k0 + _L - w, 16)]
            tv = jnp.full((16,), tv_src[0], jnp.float32)
            row0_v[h, pl.ds(k0 * _L, 16)] = tv
            row0_v[h, pl.ds(k0 * _L + 16, 16)] = tv
            return 0

        def k_hi(k0, _):
            row1_v[h, pl.ds(k0 * _L, 16)] = v_lo
            row1_v[h, pl.ds(k0 * _L + 16, 16)] = v_hi
            tv_src = b0_v[h, pl.ds(k0 + _L - w - 15, 16)]
            tv = jnp.full((16,), tv_src[15], jnp.float32)
            row0_v[h, pl.ds(k0 * _L, 16)] = tv
            row0_v[h, pl.ds(k0 * _L + 16, 16)] = tv
            return 0

        jax.lax.fori_loop(0, 16, k_lo, 0)
        jax.lax.fori_loop(16, _L, k_hi, 0)
        return 0

    jax.lax.fori_loop(0, _H, h_body, 0)


def _expand_sc(bias_0, bias_1):
    f = pl.kernel(
        _sc_expand_body,
        out_type=jax.ShapeDtypeStruct((2, _L, _H, _T), jnp.float32),
        mesh=plsc.VectorSubcoreMesh(core_axis_name="c", subcore_axis_name="s"),
        scratch_types=[
            pltpu.VMEM((_H, 2 * _L), jnp.float32),
            pltpu.VMEM((_H, 2 * _L), jnp.float32),
            pltpu.VMEM((_H, _T), jnp.float32),
            pltpu.VMEM((_H, _T), jnp.float32),
        ],
    )
    return f(bias_0, bias_1)


def _add_body(e01_hbm, out_ref, e01_v, sem):
    i = pl.program_id(0)

    @pl.when(i == 0)
    def _():
        pltpu.make_async_copy(e01_hbm, e01_v, sem).start()
        pltpu.make_async_copy(e01_hbm, e01_v, sem).wait()

    e0 = e01_v[0, pl.ds(i * _BQ, _BQ)]
    e1 = e01_v[1]
    out_ref[...] = e0[:, None, :, :] + e1[None, ...]


@jax.jit
def kernel(bias_0, bias_1):
    e01 = _expand_sc(bias_0, bias_1)
    add = pl.pallas_call(
        _add_body,
        grid=(_L // _BQ,),
        in_specs=[
            pl.BlockSpec(memory_space=pltpu.MemorySpace.HBM),
        ],
        out_specs=pl.BlockSpec((_BQ, _L, _H, _T), lambda i: (i, 0, 0, 0)),
        out_shape=jax.ShapeDtypeStruct((_L, _L, _H, _T), jnp.float32),
        scratch_shapes=[
            pltpu.VMEM((2, _L, _H, _T), jnp.float32),
            pltpu.SemaphoreType.DMA,
        ],
        compiler_params=pltpu.CompilerParams(
            dimension_semantics=("arbitrary",),
        ),
    )
    out = add(e01)
    return out.reshape(_T, _H, _T)

# --- scband reference (transcript-rebuilt; emitter-appended) ---
"""Pipeline reference for scband-relative-attention-bias-nd-55800215110247 (READ-ONLY COPY).

The authoritative reference and input builder live on the scoring server;
editing this copy changes nothing except your own understanding.
"""

import jax, jax.numpy as jnp
import numpy as np

LENGTHS = (32, 32)
NUM_HEADS = 16


def _relative_attn_bias(rel_bias, num_heads):
    # rel_bias: [num_heads, 2*L]. Build full [L, num_heads, L] relative bias
    # where entry (q, h, k) = rel_bias[h, k - q + L] (relative-position skew).
    length = rel_bias.shape[-1] // 2
    pos = jnp.arange(length)
    idx = pos[None, :] - pos[:, None] + length  # [L, L], values in [1, 2L-1]
    bias = jnp.take(rel_bias, idx, axis=1)      # [num_heads, L, L] gather
    return jnp.transpose(bias, (1, 0, 2))        # [L, num_heads, L]


def setup_inputs(seed: int = 0) -> dict:
    key = jax.random.key(seed)
    k0, k1 = jax.random.split(key)
    # learned per-dimension relative bias tables: [num_heads, 2*l_i]
    return {
        "bias_0": jax.random.normal(k0, (NUM_HEADS, 2 * LENGTHS[0]), dtype=jnp.float32) * 0.02,
        "bias_1": jax.random.normal(k1, (NUM_HEADS, 2 * LENGTHS[1]), dtype=jnp.float32) * 0.02,
    }


def reference(bias_0, bias_1):
    total_length = 1
    for l in LENGTHS:
        total_length *= l
    weights = [bias_0, bias_1]
    tile = 1
    biases = []
    for i, s in enumerate(LENGTHS):
        if s > 1:
            new_bias = _relative_attn_bias(weights[i], NUM_HEADS)  # [s, H, s]
            repeat = total_length // (tile * s)
            if repeat > 1:
                new_bias = new_bias[..., None]                      # [s, H, s, 1]
                new_bias = jnp.tile(new_bias, (tile, repeat, tile, repeat))
                new_bias = jnp.reshape(new_bias, (total_length, NUM_HEADS, total_length))
            elif tile > 1:
                new_bias = jnp.tile(new_bias, (tile, 1, tile))
            tile *= s
            biases.append(new_bias)
    out = biases[0]
    for b in biases[1:]:
        out = out + b
    return out

if __name__ == "__main__":
    import jax
    _d = setup_inputs()
    print(jax.jit(kernel)(*tuple(_d.values())))

</pallas_src>

<mosaic_0001>
#map = affine_map<(d0, d1) -> (0, 0)>
#map1 = affine_map<(d0, d1) -> (0, 0, 0, 0)>
module attributes {stable_mosaic.version = 14 : i64} {
  func.func @_sc_expand_body(%arg0: i32, %arg1: i32, %arg2: memref<16x64xf32, #tpu.memory_space<hbm>>, %arg3: memref<16x64xf32, #tpu.memory_space<hbm>>, %arg4: memref<2x32x16x1024xf32, #tpu.memory_space<hbm>>, %arg5: memref<16x64xf32, #tpu.memory_space<vmem>>, %arg6: memref<16x64xf32, #tpu.memory_space<vmem>>, %arg7: memref<16x1024xf32, #tpu.memory_space<vmem>>, %arg8: memref<16x1024xf32, #tpu.memory_space<vmem>>) attributes {dimension_semantics = [#tpu.dimension_semantics<core_parallel>, #tpu.dimension_semantics<subcore_parallel>], iteration_bounds = array<i64: 2, 16>, scalar_prefetch = 0 : i64, scratch_operands = 4 : i64, tpu.core_type = #tpu.core_type<sc_vector_subcore>, window_params = [{transform_indices = #map}, {transform_indices = #map}, {transform_indices = #map1}]} {
    %mul3A = arith.constant 2 : i32
    %mul3A_0 = arith.muli %arg1, %mul3A : i32
    %add3A = arith.addi %mul3A_0, %arg0 : i32
    "tpu.region"() ({
      %run_scoped3A_8 = tpu.sem_alloc : memref<!tpu.dma_semaphore, #tpu.memory_space<semaphore_mem>>
      tpu.enqueue_dma source(%arg2 : memref<16x64xf32, #tpu.memory_space<hbm>>) target(%arg5 : memref<16x64xf32, #tpu.memory_space<vmem>>) target_semaphore(%run_scoped3A_8 : memref<!tpu.dma_semaphore, #tpu.memory_space<semaphore_mem>>)
      tpu.wait_dma2 semaphore(%run_scoped3A_8 : memref<!tpu.dma_semaphore, #tpu.memory_space<semaphore_mem>>) src(%arg2 : memref<16x64xf32, #tpu.memory_space<hbm>>) dst(%arg5 : memref<16x64xf32, #tpu.memory_space<vmem>>)
      tpu.yield
    }) : () -> ()
    "tpu.region"() ({
      %run_scoped3A_8 = tpu.sem_alloc : memref<!tpu.dma_semaphore, #tpu.memory_space<semaphore_mem>>
      tpu.enqueue_dma source(%arg3 : memref<16x64xf32, #tpu.memory_space<hbm>>) target(%arg6 : memref<16x64xf32, #tpu.memory_space<vmem>>) target_semaphore(%run_scoped3A_8 : memref<!tpu.dma_semaphore, #tpu.memory_space<semaphore_mem>>)
      tpu.wait_dma2 semaphore(%run_scoped3A_8 : memref<!tpu.dma_semaphore, #tpu.memory_space<semaphore_mem>>) src(%arg3 : memref<16x64xf32, #tpu.memory_space<hbm>>) dst(%arg6 : memref<16x64xf32, #tpu.memory_space<vmem>>)
      tpu.yield
    }) : () -> ()
    %scan3A = arith.constant 0 : i32
    %scan3A_1 = arith.constant 0 : i32
    %scan3A_2 = arith.constant 16 : i32
    %scan3A_3 = arith.addi %scan3A_1, %scan3A_2 : i32
    %scan3A_4 = arith.constant 1 : i32
    %scan3A_5 = scf.for %scan3A_8 = %scan3A_1 to %scan3A_3 step %scan3A_4 iter_args(%scan3A_9 = %scan3A) -> (i32)  : i32 {
      %sub3A = arith.constant 32 : i32
      %sub3A_10 = arith.subi %sub3A, %add3A : i32
      %get3A = arith.index_cast %scan3A_8 : i32 to index
      %get3A_11 = arith.index_cast %sub3A_10 : i32 to index
      %get3A_12 = tpu.vector_load %arg6[%get3A, %get3A_11] {strides = array<i32>} : memref<16x64xf32, #tpu.memory_space<vmem>>, vector<1x16xf32>,
      %get3A_13 = vector.shape_cast %get3A_12 : vector<1x16xf32> to vector<16xf32>
      %sub3A_14 = arith.constant 32 : i32
      %sub3A_15 = arith.subi %sub3A_14, %add3A : i32
      %add3A_16 = arith.constant 16 : i32
      %add3A_17 = arith.addi %sub3A_15, %add3A_16 : i32
      %get3A_18 = arith.index_cast %scan3A_8 : i32 to index
      %get3A_19 = arith.index_cast %add3A_17 : i32 to index
      %get3A_20 = tpu.vector_load %arg6[%get3A_18, %get3A_19] {strides = array<i32>} : memref<16x64xf32, #tpu.memory_space<vmem>>, vector<1x16xf32>,
      %get3A_21 = vector.shape_cast %get3A_20 : vector<1x16xf32> to vector<16xf32>
      %scan3A_22 = arith.constant 0 : i32
      %scan3A_23 = arith.constant 0 : i32
      %scan3A_24 = arith.constant 16 : i32
      %scan3A_25 = arith.addi %scan3A_23, %scan3A_24 : i32
      %scan3A_26 = arith.constant 1 : i32
      %scan3A_27 = scf.for %scan3A_37 = %scan3A_23 to %scan3A_25 step %scan3A_26 iter_args(%scan3A_38 = %scan3A_22) -> (i32)  : i32 {
        %mul3A_39 = arith.constant 32 : i32
        %mul3A_40 = arith.muli %scan3A_37, %mul3A_39 : i32
        %swap3A = arith.index_cast %scan3A_8 : i32 to index
        %swap3A_41 = arith.index_cast %mul3A_40 : i32 to index
        %swap3A_42 = tpu.vector_load %arg8[%swap3A, %swap3A_41] {strides = array<i32>} : memref<16x1024xf32, #tpu.memory_space<vmem>>, vector<1x16xf32>,
        %swap3A_43 = vector.shape_cast %swap3A_42 : vector<1x16xf32> to vector<16xf32>
        %swap3A_44 = vector.shape_cast %get3A_13 : vector<16xf32> to vector<1x16xf32>
        tpu.vector_store %arg8[%swap3A, %swap3A_41], %swap3A_44 {strides = array<i32>} : memref<16x1024xf32, #tpu.memory_space<vmem>>, vector<1x16xf32>,
        %mul3A_45 = arith.constant 32 : i32
        %mul3A_46 = arith.muli %scan3A_37, %mul3A_45 : i32
        %add3A_47 = arith.constant 16 : i32
        %add3A_48 = arith.addi %mul3A_46, %add3A_47 : i32
        %swap3A_49 = arith.index_cast %scan3A_8 : i32 to index
        %swap3A_50 = arith.index_cast %add3A_48 : i32 to index
        %swap3A_51 = tpu.vector_load %arg8[%swap3A_49, %swap3A_50] {strides = array<i32>} : memref<16x1024xf32, #tpu.memory_space<vmem>>, vector<1x16xf32>,
        %swap3A_52 = vector.shape_cast %swap3A_51 : vector<1x16xf32> to vector<16xf32>
        %swap3A_53 = vector.shape_cast %get3A_21 : vector<16xf32> to vector<1x16xf32>
        tpu.vector_store %arg8[%swap3A_49, %swap3A_50], %swap3A_53 {strides = array<i32>} : memref<16x1024xf32, #tpu.memory_space<vmem>>, vector<1x16xf32>,
        %add3A_54 = arith.constant 32 : i32
        %add3A_55 = arith.addi %scan3A_37, %add3A_54 : i32
        %sub3A_56 = arith.subi %add3A_55, %add3A : i32
        %get3A_57 = arith.index_cast %scan3A_8 : i32 to index
        %get3A_58 = arith.index_cast %sub3A_56 : i32 to index
        %get3A_59 = tpu.vector_load %arg5[%get3A_57, %get3A_58] {strides = array<i32>} : memref<16x64xf32, #tpu.memory_space<vmem>>, vector<1x16xf32>,
        %get3A_60 = vector.shape_cast %get3A_59 : vector<1x16xf32> to vector<16xf32>
        %slice3A = vector.extract_strided_slice %get3A_60 {offsets = [0], sizes = [1], strides = [1]} : vector<16xf32> to vector<1xf32>
        %squeeze3A = vector.extract %slice3A[0] : f32 from vector<1xf32>
        %broadcast_in_dim3A = vector.broadcast %squeeze3A : f32 to vector<16xf32>
        %mul3A_61 = arith.constant 32 : i32
        %mul3A_62 = arith.muli %scan3A_37, %mul3A_61 : i32
        %swap3A_63 = arith.index_cast %scan3A_8 : i32 to index
        %swap3A_64 = arith.index_cast %mul3A_62 : i32 to index
        %swap3A_65 = tpu.vector_load %arg7[%swap3A_63, %swap3A_64] {strides = array<i32>} : memref<16x1024xf32, #tpu.memory_space<vmem>>, vector<1x16xf32>,
        %swap3A_66 = vector.shape_cast %swap3A_65 : vector<1x16xf32> to vector<16xf32>
        %swap3A_67 = vector.shape_cast %broadcast_in_dim3A : vector<16xf32> to vector<1x16xf32>
        tpu.vector_store %arg7[%swap3A_63, %swap3A_64], %swap3A_67 {strides = array<i32>} : memref<16x1024xf32, #tpu.memory_space<vmem>>, vector<1x16xf32>,
        %mul3A_68 = arith.constant 32 : i32
        %mul3A_69 = arith.muli %scan3A_37, %mul3A_68 : i32
        %add3A_70 = arith.constant 16 : i32
        %add3A_71 = arith.addi %mul3A_69, %add3A_70 : i32
        %swap3A_72 = arith.index_cast %scan3A_8 : i32 to index
        %swap3A_73 = arith.index_cast %add3A_71 : i32 to index
        %swap3A_74 = tpu.vector_load %arg7[%swap3A_72, %swap3A_73] {strides = array<i32>} : memref<16x1024xf32, #tpu.memory_space<vmem>>, vector<1x16xf32>,
        %swap3A_75 = vector.shape_cast %swap3A_74 : vector<1x16xf32> to vector<16xf32>
        %swap3A_76 = vector.shape_cast %broadcast_in_dim3A : vector<16xf32> to vector<1x16xf32>
        tpu.vector_store %arg7[%swap3A_72, %swap3A_73], %swap3A_76 {strides = array<i32>} : memref<16x1024xf32, #tpu.memory_space<vmem>>, vector<1x16xf32>,
        %scan3A_77 = arith.constant 0 : i32
        scf.yield %scan3A_77 : i32
      }
      %scan3A_28 = arith.constant 16 : i32
      %scan3A_29 = arith.constant 0 : i32
      %scan3A_30 = arith.constant 16 : i32
      %scan3A_31 = arith.constant 16 : i32
      %scan3A_32 = arith.addi %scan3A_30, %scan3A_31 : i32
      %scan3A_33 = arith.constant 1 : i32
      %scan3A_34 = scf.for %scan3A_37 = %scan3A_30 to %scan3A_32 step %scan3A_33 iter_args(%scan3A_38 = %scan3A_29) -> (i32)  : i32 {
        %mul3A_39 = arith.constant 32 : i32
        %mul3A_40 = arith.muli %scan3A_37, %mul3A_39 : i32
        %swap3A = arith.index_cast %scan3A_8 : i32 to index
        %swap3A_41 = arith.index_cast %mul3A_40 : i32 to index
        %swap3A_42 = tpu.vector_load %arg8[%swap3A, %swap3A_41] {strides = array<i32>} : memref<16x1024xf32, #tpu.memory_space<vmem>>, vector<1x16xf32>,
        %swap3A_43 = vector.shape_cast %swap3A_42 : vector<1x16xf32> to vector<16xf32>
        %swap3A_44 = vector.shape_cast %get3A_13 : vector<16xf32> to vector<1x16xf32>
        tpu.vector_store %arg8[%swap3A, %swap3A_41], %swap3A_44 {strides = array<i32>} : memref<16x1024xf32, #tpu.memory_space<vmem>>, vector<1x16xf32>,
        %mul3A_45 = arith.constant 32 : i32
        %mul3A_46 = arith.muli %scan3A_37, %mul3A_45 : i32
        %add3A_47 = arith.constant 16 : i32
        %add3A_48 = arith.addi %mul3A_46, %add3A_47 : i32
        %swap3A_49 = arith.index_cast %scan3A_8 : i32 to index
        %swap3A_50 = arith.index_cast %add3A_48 : i32 to index
        %swap3A_51 = tpu.vector_load %arg8[%swap3A_49, %swap3A_50] {strides = array<i32>} : memref<16x1024xf32, #tpu.memory_space<vmem>>, vector<1x16xf32>,
        %swap3A_52 = vector.shape_cast %swap3A_51 : vector<1x16xf32> to vector<16xf32>
        %swap3A_53 = vector.shape_cast %get3A_21 : vector<16xf32> to vector<1x16xf32>
        tpu.vector_store %arg8[%swap3A_49, %swap3A_50], %swap3A_53 {strides = array<i32>} : memref<16x1024xf32, #tpu.memory_space<vmem>>, vector<1x16xf32>,
        %add3A_54 = arith.constant 32 : i32
        %add3A_55 = arith.addi %scan3A_37, %add3A_54 : i32
        %sub3A_56 = arith.subi %add3A_55, %add3A : i32
        %sub3A_57 = arith.constant 15 : i32
        %sub3A_58 = arith.subi %sub3A_56, %sub3A_57 : i32
        %get3A_59 = arith.index_cast %scan3A_8 : i32 to index
        %get3A_60 = arith.index_cast %sub3A_58 : i32 to index
        %get3A_61 = tpu.vector_load %arg5[%get3A_59, %get3A_60] {strides = array<i32>} : memref<16x64xf32, #tpu.memory_space<vmem>>, vector<1x16xf32>,
        %get3A_62 = vector.shape_cast %get3A_61 : vector<1x16xf32> to vector<16xf32>
        %slice3A = vector.extract_strided_slice %get3A_62 {offsets = [15], sizes = [1], strides = [1]} : vector<16xf32> to vector<1xf32>
        %squeeze3A = vector.extract %slice3A[0] : f32 from vector<1xf32>
        %broadcast_in_dim3A = vector.broadcast %squeeze3A : f32 to vector<16xf32>
        %mul3A_63 = arith.constant 32 : i32
        %mul3A_64 = arith.muli %scan3A_37, %mul3A_63 : i32
        %swap3A_65 = arith.index_cast %scan3A_8 : i32 to index
        %swap3A_66 = arith.index_cast %mul3A_64 : i32 to index
        %swap3A_67 = tpu.vector_load %arg7[%swap3A_65, %swap3A_66] {strides = array<i32>} : memref<16x1024xf32, #tpu.memory_space<vmem>>, vector<1x16xf32>,
        %swap3A_68 = vector.shape_cast %swap3A_67 : vector<1x16xf32> to vector<16xf32>
        %swap3A_69 = vector.shape_cast %broadcast_in_dim3A : vector<16xf32> to vector<1x16xf32>
        tpu.vector_store %arg7[%swap3A_65, %swap3A_66], %swap3A_69 {strides = array<i32>} : memref<16x1024xf32, #tpu.memory_space<vmem>>, vector<1x16xf32>,
        %mul3A_70 = arith.constant 32 : i32
        %mul3A_71 = arith.muli %scan3A_37, %mul3A_70 : i32
        %add3A_72 = arith.constant 16 : i32
        %add3A_73 = arith.addi %mul3A_71, %add3A_72 : i32
        %swap3A_74 = arith.index_cast %scan3A_8 : i32 to index
        %swap3A_75 = arith.index_cast %add3A_73 : i32 to index
        %swap3A_76 = tpu.vector_load %arg7[%swap3A_74, %swap3A_75] {strides = array<i32>} : memref<16x1024xf32, #tpu.memory_space<vmem>>, vector<1x16xf32>,
        %swap3A_77 = vector.shape_cast %swap3A_76 : vector<1x16xf32> to vector<16xf32>
        %swap3A_78 = vector.shape_cast %broadcast_in_dim3A : vector<16xf32> to vector<1x16xf32>
        tpu.vector_store %arg7[%swap3A_74, %swap3A_75], %swap3A_78 {strides = array<i32>} : memref<16x1024xf32, #tpu.memory_space<vmem>>, vector<1x16xf32>,
        %scan3A_79 = arith.constant 0 : i32
        scf.yield %scan3A_79 : i32
      }
      %scan3A_35 = arith.constant 16 : i32
      %scan3A_36 = arith.constant 0 : i32
      scf.yield %scan3A_36 : i32
    }
    %scan3A_6 = arith.constant 16 : i32
    %run_scoped3A = arith.constant 0 : i32
    "tpu.region"() ({
      %run_scoped3A_8 = tpu.sem_alloc : memref<!tpu.dma_semaphore, #tpu.memory_space<semaphore_mem>>
      %dma_start3A = arith.constant 0 : i32
      %dma_start3A_9 = arith.constant 0 : i32
      %dma_start3A_10 = tpu.memref_slice %arg4[%run_scoped3A, %add3A, %dma_start3A, %dma_start3A_9] : memref<2x32x16x1024xf32, #tpu.memory_space<hbm>> -> memref<1x1x16x1024xf32, #tpu.memory_space<hbm>>
      %dma_start3A_11 = tpu.memref_squeeze %dma_start3A_10 : memref<1x1x16x1024xf32, #tpu.memory_space<hbm>> -> memref<16x1024xf32, #tpu.memory_space<hbm>>
      %dma_start3A_12 = arith.constant 0 : i32
      %dma_start3A_13 = arith.constant 0 : i32
      %dma_start3A_14 = tpu.memref_slice %arg4[%run_scoped3A, %add3A, %dma_start3A_12, %dma_start3A_13] : memref<2x32x16x1024xf32, #tpu.memory_space<hbm>> -> memref<1x1x16x1024xf32, #tpu.memory_space<hbm>>
      %dma_start3A_15 = tpu.memref_squeeze %dma_start3A_14 : memref<1x1x16x1024xf32, #tpu.memory_space<hbm>> -> memref<16x1024xf32, #tpu.memory_space<hbm>>
      tpu.enqueue_dma source(%arg7 : memref<16x1024xf32, #tpu.memory_space<vmem>>) target(%dma_start3A_15 : memref<16x1024xf32, #tpu.memory_space<hbm>>) target_semaphore(%run_scoped3A_8 : memref<!tpu.dma_semaphore, #tpu.memory_space<semaphore_mem>>)
      %dma_wait3A = arith.constant 0 : i32
      %dma_wait3A_16 = arith.constant 0 : i32
      %dma_wait3A_17 = tpu.memref_slice %arg4[%run_scoped3A, %add3A, %dma_wait3A, %dma_wait3A_16] : memref<2x32x16x1024xf32, #tpu.memory_space<hbm>> -> memref<1x1x16x1024xf32, #tpu.memory_space<hbm>>
      %dma_wait3A_18 = tpu.memref_squeeze %dma_wait3A_17 : memref<1x1x16x1024xf32, #tpu.memory_space<hbm>> -> memref<16x1024xf32, #tpu.memory_space<hbm>>
      %dma_wait3A_19 = arith.constant 0 : i32
      %dma_wait3A_20 = arith.constant 0 : i32
      %dma_wait3A_21 = tpu.memref_slice %arg4[%run_scoped3A, %add3A, %dma_wait3A_19, %dma_wait3A_20] : memref<2x32x16x1024xf32, #tpu.memory_space<hbm>> -> memref<1x1x16x1024xf32, #tpu.memory_space<hbm>>
      %dma_wait3A_22 = tpu.memref_squeeze %dma_wait3A_21 : memref<1x1x16x1024xf32, #tpu.memory_space<hbm>> -> memref<16x1024xf32, #tpu.memory_space<hbm>>
      tpu.wait_dma2 semaphore(%run_scoped3A_8 : memref<!tpu.dma_semaphore, #tpu.memory_space<semaphore_mem>>) src(%arg7 : memref<16x1024xf32, #tpu.memory_space<vmem>>) dst(%dma_wait3A_22 : memref<16x1024xf32, #tpu.memory_space<hbm>>)
      tpu.yield
    }) : () -> ()
    %run_scoped3A_7 = arith.constant 1 : i32
    "tpu.region"() ({
      %run_scoped3A_8 = tpu.sem_alloc : memref<!tpu.dma_semaphore, #tpu.memory_space<semaphore_mem>>
      %dma_start3A = arith.constant 0 : i32
      %dma_start3A_9 = arith.constant 0 : i32
      %dma_start3A_10 = tpu.memref_slice %arg4[%run_scoped3A_7, %add3A, %dma_start3A, %dma_start3A_9] : memref<2x32x16x1024xf32, #tpu.memory_space<hbm>> -> memref<1x1x16x1024xf32, #tpu.memory_space<hbm>>
      %dma_start3A_11 = tpu.memref_squeeze %dma_start3A_10 : memref<1x1x16x1024xf32, #tpu.memory_space<hbm>> -> memref<16x1024xf32, #tpu.memory_space<hbm>>
      %dma_start3A_12 = arith.constant 0 : i32
      %dma_start3A_13 = arith.constant 0 : i32
      %dma_start3A_14 = tpu.memref_slice %arg4[%run_scoped3A_7, %add3A, %dma_start3A_12, %dma_start3A_13] : memref<2x32x16x1024xf32, #tpu.memory_space<hbm>> -> memref<1x1x16x1024xf32, #tpu.memory_space<hbm>>
      %dma_start3A_15 = tpu.memref_squeeze %dma_start3A_14 : memref<1x1x16x1024xf32, #tpu.memory_space<hbm>> -> memref<16x1024xf32, #tpu.memory_space<hbm>>
      tpu.enqueue_dma source(%arg8 : memref<16x1024xf32, #tpu.memory_space<vmem>>) target(%dma_start3A_15 : memref<16x1024xf32, #tpu.memory_space<hbm>>) target_semaphore(%run_scoped3A_8 : memref<!tpu.dma_semaphore, #tpu.memory_space<semaphore_mem>>)
      %dma_wait3A = arith.constant 0 : i32
      %dma_wait3A_16 = arith.constant 0 : i32
      %dma_wait3A_17 = tpu.memref_slice %arg4[%run_scoped3A_7, %add3A, %dma_wait3A, %dma_wait3A_16] : memref<2x32x16x1024xf32, #tpu.memory_space<hbm>> -> memref<1x1x16x1024xf32, #tpu.memory_space<hbm>>
      %dma_wait3A_18 = tpu.memref_squeeze %dma_wait3A_17 : memref<1x1x16x1024xf32, #tpu.memory_space<hbm>> -> memref<16x1024xf32, #tpu.memory_space<hbm>>
      %dma_wait3A_19 = arith.constant 0 : i32
      %dma_wait3A_20 = arith.constant 0 : i32
      %dma_wait3A_21 = tpu.memref_slice %arg4[%run_scoped3A_7, %add3A, %dma_wait3A_19, %dma_wait3A_20] : memref<2x32x16x1024xf32, #tpu.memory_space<hbm>> -> memref<1x1x16x1024xf32, #tpu.memory_space<hbm>>
      %dma_wait3A_22 = tpu.memref_squeeze %dma_wait3A_21 : memref<1x1x16x1024xf32, #tpu.memory_space<hbm>> -> memref<16x1024xf32, #tpu.memory_space<hbm>>
      tpu.wait_dma2 semaphore(%run_scoped3A_8 : memref<!tpu.dma_semaphore, #tpu.memory_space<semaphore_mem>>) src(%arg8 : memref<16x1024xf32, #tpu.memory_space<vmem>>) dst(%dma_wait3A_22 : memref<16x1024xf32, #tpu.memory_space<hbm>>)
      tpu.yield
    }) : () -> ()
    return
  }
}

module attributes {stable_mosaic.version = 14 : i64} {
  func.func @_add_body(%arg0: i32, %arg1: memref<2x32x16x1024xf32, #tpu.memory_space<hbm>>, %arg2: memref<2x32x16x1024xf32, #tpu.memory_space<vmem>>, %arg3: memref<2x32x16x1024xf32, #tpu.memory_space<vmem>>, %arg4: memref<!tpu.dma_semaphore, #tpu.memory_space<semaphore_mem>>) attributes {dimension_semantics = [#tpu.dimension_semantics<arbitrary>], iteration_bounds = array<i64: 16>, scalar_prefetch = 0 : i64, scratch_operands = 2 : i64, tpu.core_type = #tpu.core_type<tc>, window_params = [{}, {transform_indices = @transform_1, window_bounds = array<i64: 2, 32, 16, 1024>}]} {
    %eq3A = arith.constant 0 : i32
    %eq3A_0 = arith.cmpi eq, %arg0, %eq3A : i32
    %convert_element_type3A = arith.extui %eq3A_0 : i1 to i32
    %cond3A = arith.constant 0 : i32
    %cond3A_1 = arith.cmpi ne, %convert_element_type3A, %cond3A : i32
    scf.if %cond3A_1 {
      tpu.enqueue_dma source(%arg1 : memref<2x32x16x1024xf32, #tpu.memory_space<hbm>>) target(%arg3 : memref<2x32x16x1024xf32, #tpu.memory_space<vmem>>) target_semaphore(%arg4 : memref<!tpu.dma_semaphore, #tpu.memory_space<semaphore_mem>>)
      tpu.wait_dma2 semaphore(%arg4 : memref<!tpu.dma_semaphore, #tpu.memory_space<semaphore_mem>>) src(%arg1 : memref<2x32x16x1024xf32, #tpu.memory_space<hbm>>) dst(%arg3 : memref<2x32x16x1024xf32, #tpu.memory_space<vmem>>)
    } else {
    }
    %mul3A = arith.constant 2 : i32
    %mul3A_2 = arith.muli %arg0, %mul3A : i32
    %get3A = arith.constant 0 : index
    %get3A_3 = arith.index_cast %mul3A_2 : i32 to index
    %get3A_4 = arith.constant 0 : index
    %get3A_5 = arith.constant 0 : index
    %get3A_6 = vector.load %arg3[%get3A, %get3A_3, %get3A_4, %get3A_5] : memref<2x32x16x1024xf32, #tpu.memory_space<vmem>>, vector<1x2x16x1024xf32>
    %get3A_7 = vector.shape_cast %get3A_6 : vector<1x2x16x1024xf32> to vector<2x16x1024xf32>
    %get3A_8 = arith.constant 1 : index
    %get3A_9 = arith.constant 0 : index
    %get3A_10 = arith.constant 0 : index
    %get3A_11 = arith.constant 0 : index
    %get3A_12 = vector.load %arg3[%get3A_8, %get3A_9, %get3A_10, %get3A_11] : memref<2x32x16x1024xf32, #tpu.memory_space<vmem>>, vector<1x32x16x1024xf32>
    %get3A_13 = vector.shape_cast %get3A_12 : vector<1x32x16x1024xf32> to vector<32x16x1024xf32>
    %broadcast_in_dim3A = vector.shape_cast %get3A_7 : vector<2x16x1024xf32> to vector<2x1x16x1024xf32>
    %broadcast_in_dim3A_14 = vector.shape_cast %get3A_13 : vector<32x16x1024xf32> to vector<1x32x16x1024xf32>
    %add3A = vector.broadcast %broadcast_in_dim3A : vector<2x1x16x1024xf32> to vector<2x32x16x1024xf32>
    %add3A_15 = vector.broadcast %broadcast_in_dim3A_14 : vector<1x32x16x1024xf32> to vector<2x32x16x1024xf32>
    %add3A_16 = arith.addf %add3A, %add3A_15 : vector<2x32x16x1024xf32>
    %swap3A = arith.constant 0 : index
    %swap3A_17 = arith.constant 0 : index
    %swap3A_18 = arith.constant 0 : index
    %swap3A_19 = arith.constant 0 : index
    %swap3A_20 = vector.load %arg2[%swap3A, %swap3A_17, %swap3A_18, %swap3A_19] : memref<2x32x16x1024xf32, #tpu.memory_space<vmem>>, vector<2x32x16x1024xf32>
    tpu.vector_store %arg2[%swap3A, %swap3A_17, %swap3A_18, %swap3A_19], %add3A_16 {strides = array<i32>} : memref<2x32x16x1024xf32, #tpu.memory_space<vmem>>, vector<2x32x16x1024xf32>,
    return
  }
  func.func @transform_1(%arg0: i32) -> (i32, i32, i32, i32) {
    %c0_i32 = arith.constant 0 : i32
    %c0_i32_0 = arith.constant 0 : i32
    %c0_i32_1 = arith.constant 0 : i32
    %c0_i32_2 = arith.constant 0 : i32
    return %arg0, %c0_i32, %c0_i32_0, %c0_i32_1 : i32, i32, i32, i32
  }
}

</mosaic_0001>

<sc_bundles>
// kernel: kernel.4.cloned.1.call-start
scs
__scs_entry_jumppad:
0x0: {  	(pc) =	sbr.rel $0x88, $3  }
0x1: {  	(tag) =	ssettag $0x0;
	lr =	simm.s32 $0x1  }
0x2: {  	[smem:$0x3F9F] =	sst lr;
	_ =	strace $0xD0000000  }
0x3: {  	_ = 	snop  }
0x4: {  	_ = 	snop  }
0x5: {  	_ = 	snop  }
0x6: {  	_ = 	snop  }
0x7: {  	_ = 	snop  }
__scs_overlays_trampoline_lowered:
0x8: {  	[smem:$0x3FAE] =	sst s0  }
0x9: {  	[smem:$0x3FAF] =	sst s1  }
0xa: {  	[smem:$0x3FB0] =	sst s2  }
0xb: {  	[smem:$0x3FB1] =	sst s3  }
0xc: {  	[smem:$0x3FB2] =	sst s4  }
0xd: {  	[smem:$0x3FB3] =	sst s5  }
0xe: {  	[smem:$0x3FB4] =	sst s6  }
0xf: {  	[smem:$0x3FB5] =	sst s7  }
0x10: {  	[smem:$0x3FB6] =	sst s8  }
0x11: {  	[smem:$0x3FB7] =	sst s9;
	s0 =	simm.s32 @!p0 $0x0  }
0x12: {  	s1 =	sld [smem:$0x3F9D];
	s0 =	simm.s32 @p0 $0x1  }
0x13: {  	[smem:$0x3FB8] =	sst s0;
	s0 =	simm.s32 @!p1 $0x0  }
0x14: {  	s2 =	sld [smem:$0x3F9C];
	s0 =	simm.s32 @p1 $0x1  }
0x15: {  	[smem:$0x3FB9] =	sst s0;
	s0 =	simm.s32 @!p2 $0x0  }
0x16: {  	s3 =	sld [smem:$0x3FDB];
	s0 =	simm.s32 @p2 $0x1  }
0x17: {  	s4 =	simm.s32 $0x1BF5;
	[smem:$0x3FBB] =	sst s0  }
0x18: {  	s0 =	sld [smem:$0x3F9E];
	_ =	swait.ge [sflag:s4], $0x0  }
0x19: {  	s7 =	sld [smem:$0x3F9F]  }
0x1a: {  	s8 =	sadd.s32 $0xFFFFE003, lr  }
0x1b: {  	s9 =	sadd.s32 $0xFFFFFEF7, lr;
	s5 =	simm.s32 $0xFFFFFFFF;
	p2 =	slt.u32 s8, $0xFFFFF086  }
0x1c: {  	p1 =	slt.u32 s9, $0xF7A;
	s5 =	simm.s32 @!p2 $0x0  }
0x1d: {  	s5 =	simm.s32 @p1 $0x1;
	p0 =	seq.s32 s7, s2  }
0x1e: {  	s7 =	smul.u32 @!p0 $0xF7A, s2;
	p2 =	seq.s32 @!p0 s5, $0x0  }
0x1f: {  	s9 =	smul.u32 $0xF7A, s1;
	s8 =	simm.s32 @!p0 $0x1BF5;
	p2 =	por !p2, p0  }
0x20: {  	[sflag:s8] =	ssyncset.s32 @!p0 $0xFFFFF086;
	s6 =	sadd.s32 @!p0 s3, s7;
	s7 =	simm.s32 @!p0 $0x108  }
0x21: {  	s3 =	sadd.s32 s3, s9;
	s6 =	sadd.s32 @!p0 $0x88, s6;
	s7 =	simm.s32 @p2 $0x1082  }
0x22: {  	[simem:s7], [sflag:s8] =	dma.local @!p0 [hbm:s6], $0xF7A  }
0x23: {  	s9 =	sor.u32 $0xD0000000, s2;
	s6 =	simm.s32 $0x108;
	_ =	swait.ge @!p0 [sflag:s8], $0x0  }
0x24: {  	s3 =	sadd.s32 $0x88, s3;
	s6 =	simm.s32 @!p1 $0x1082;
	[sflag:s4] =	ssyncset.s32 $0xFFFFF086  }
0x25: {  	[simem:s6], [sflag:s4] =	dma.local [hbm:s3], $0xF7A  }
0x26: {  	[smem:$0x3F9F] =	sst s1;
	(tag) =	ssettag s2;
	_ =	strace s9  }
0x27: {  	s1 =	sld [smem:$0x3FAF]  }
0x28: {  	s2 =	sld [smem:$0x3FB0]  }
0x29: {  	s4 =	sld [smem:$0x3FB2]  }
0x2a: {  	p0 =	seq.s32 s5, $0x0;
	s5 =	sld [smem:$0x3FB3]  }
0x2b: {  	s6 =	sld [smem:$0x3FB4]  }
0x2c: {  	s7 =	sld [smem:$0x3FB5]  }
0x2d: {  	s3 =	simm.s32 $0x108;
	s8 =	sld [smem:$0x3FB6]  }
0x2e: {  	s3 =	simm.s32 @!p0 $0x1082;
	s9 =	sld [smem:$0x3FB7]  }
0x2f: {  	lr =	sadd.s32 s0, s3;
	s0 =	sld [smem:$0x3FAE]  }
0x30: {  	s3 =	sld [smem:$0x3FB1]  }
0x31: {  	[smem:$0x3FBA] =	sst s10  }
0x32: {  	s10 =	sld [smem:$0x3FB8];
	_ =	sdelay $0x3  }
0x33: {  	p0 =	seq.s32 s10, $0x1;
	s10 =	sld [smem:$0x3FBA];
	_ =	sdelay $0x3  }
0x34: {  	[smem:$0x3FBA] =	sst s10  }
0x35: {  	s10 =	sld [smem:$0x3FB9];
	_ =	sdelay $0x3  }
0x36: {  	p1 =	seq.s32 s10, $0x1;
	s10 =	sld [smem:$0x3FBA];
	_ =	sdelay $0x3  }
0x37: {  	[smem:$0x3FBA] =	sst s10  }
0x38: {  	s10 =	sld [smem:$0x3FBB]  }
0x39: {  	_ = 	snop;
	(pc) =	sbr.ind lr, $3  }
0x3a: {  	_ = 	snop  }
0x3b: {  	_ = 	snop  }
0x3c: {  	p2 =	seq.s32 s10, $0x1;
	s10 =	sld [smem:$0x3FBA]  }
0x3d: {  	_ =	shalt  }
0x3e: {  	_ =	shalt  }
0x3f: {  	_ =	shalt  }
0x40: {  	_ =	shalt  }
0x41: {  	_ =	shalt  }
0x42: {  	_ =	shalt  }
0x43: {  	_ =	shalt  }
0x44: {  	_ =	shalt  }
0x45: {  	_ =	shalt  }
0x46: {  	_ =	shalt  }
0x47: {  	_ =	shalt  }
0x48: {  	_ =	shalt  }
0x49: {  	_ =	shalt  }
0x4a: {  	_ =	shalt  }
0x4b: {  	_ =	shalt  }
0x4c: {  	_ =	shalt  }
0x4d: {  	_ =	shalt  }
0x4e: {  	_ =	shalt  }
0x4f: {  	_ =	shalt  }
0x50: {  	_ =	shalt  }
0x51: {  	_ =	shalt  }
0x52: {  	_ =	shalt  }
0x53: {  	_ =	shalt  }
0x54: {  	_ =	shalt  }
0x55: {  	_ =	shalt  }
0x56: {  	_ =	shalt  }
0x57: {  	_ =	shalt  }
0x58: {  	_ =	shalt  }
0x59: {  	_ =	shalt  }
0x5a: {  	_ =	shalt  }
0x5b: {  	_ =	shalt  }
0x5c: {  	_ =	shalt  }
0x5d: {  	_ =	shalt  }
0x5e: {  	_ =	shalt  }
0x5f: {  	_ =	shalt  }
0x60: {  	_ =	shalt  }
0x61: {  	_ =	shalt  }
0x62: {  	_ =	shalt  }
0x63: {  	_ =	shalt  }
0x64: {  	_ =	shalt  }
0x65: {  	_ =	shalt  }
0x66: {  	_ =	shalt  }
0x67: {  	_ =	shalt  }
0x68: {  	_ =	shalt  }
0x69: {  	_ =	shalt  }
0x6a: {  	_ =	shalt  }
0x6b: {  	_ =	shalt  }
0x6c: {  	_ =	shalt  }
0x6d: {  	_ =	shalt  }
0x6e: {  	_ =	shalt  }
0x6f: {  	_ =	shalt  }
0x70: {  	_ =	shalt  }
0x71: {  	_ =	shalt  }
0x72: {  	_ =	shalt  }
0x73: {  	_ =	shalt  }
0x74: {  	_ =	shalt  }
0x75: {  	_ =	shalt  }
0x76: {  	_ =	shalt  }
0x77: {  	_ =	shalt  }
0x78: {  	_ =	shalt  }
0x79: {  	_ =	shalt  }
0x7a: {  	_ =	shalt  }
0x7b: {  	_ =	shalt  }
0x7c: {  	_ =	shalt  }
0x7d: {  	_ =	shalt  }
0x7e: {  	_ =	shalt  }
0x7f: {  	_ =	shalt  }
0x80: {  	_ =	shalt  }
0x81: {  	_ =	shalt  }
0x82: {  	_ =	shalt  }
0x83: {  	_ =	shalt  }
0x84: {  	_ =	shalt  }
0x85: {  	_ =	shalt  }
0x86: {  	_ =	shalt  }
0x87: {  	_ =	shalt  }
.Lfunc_end0:
.L_simem_size_0:
called_computation_lowered:
.L_overlay_start_0:
0x88: {  	s2 =	sld [smem:$0x3FD9]  }
0x89: {  	s3 =	sld [smem:$0x3FFE];
	_ =	sdelay $0x1  }
0x8a: {  	s1 =	srdreg.scid  }
0x8b: {  	s0 =	sand.u32 $0x1, s1  }
0x8c: {  	s18 =	sshll.u32 s0, $0xA;
	s2 =	sadd.s32 s3, s2  }
0x8d: {  	s2 =	sadd.s32 s2, s18  }
0x8e: {  	[smem:$0x3FC6] =	sst s2  }
0x8f: {  	_ = 	snop  }
0x90: {  	s2 =	sld [smem:$0x3FC9]  }
0x91: {  	s19 =	sld [smem:$0x3FC8]  }
0x92: {  	s4 =	sld [smem:$0x3FD0];
	(tm) =	ssettm $0x1  }
0x93: {  	s5 =	sld [smem:$0x3FFB];
	_ =	sdelay $0x3  }
0x94: {  	_ =	strace s5  }
0x95: {  	s5 =	sld [smem:$0x3FFC];
	_ =	sdelay $0x3  }
0x96: {  	_ =	strace s5  }
0x97: {  	s5 =	sld [smem:$0x3FFD];
	_ =	sdelay $0x3  }
0x98: {  	_ =	strace s5  }
0x99: {  	_ =	strace $0x8FFFFFFF  }
0x9a: {  	s20 =	sld [smem:$0x3FDB];
	_ =	sdelay $0x1  }
0x9b: {  	s6 =	simm.s32 $_scs_section_size  }
0x9c: {  	s7 =	simm.s32 $_size__tile_overlayer_lowered;
	s8 =	simm.s32 $_tile_overlayer_lowered  }
0x9d: {  	s23 =	simm.s32 $0x1BFF;
	s22 =	sshll.u32 s8, $0x1;
	s5 =	sadd.s32 s6, s20  }
0x9e: {  	s9 =	simm.s32 $0x0;
	s21 =	sshll.u32 s7, $0x1;
	s7 =	sadd.s32 s22, s5  }
0x9f: {  	[timem:s9], [sflag:s23] =	dma.local [hbm:s7], s21  }
0xa0: {  	_ =	swait.ge [sflag:s23], s21  }
0xa1: {  	s6 =	ssub.s32 $0x0, s21;
	[sflag:s23] =	ssyncset.done $0x0  }
0xa2: {  	[sflag:s23] =	ssyncadd.s32 s6;
	_ =	sdelay $0x1  }
0xa3: {  	s24 =	simm.s32 $0x1B8B  }
0xa4: {  	_ =	swait.ge [sflag:s24], $0x1  }
0xa5: {  	[sflag:s24] =	ssyncset.done $0x0  }
0xa6: {  	s25 =	simm.s32 $0x1B8E;
	[sflag:s24] =	ssyncadd.s32 $0xFFFFFFFF  }
0xa7: {  	s26 =	simm.s32 $execute0_lowered;
	[smem:$0x3FD2] =	sst s25  }
0xa8: {  	s6 =	sshll.u32 s26, $0x1;
	_ =	strace $0x80000046;
	[dreg:$0x1] =	wrdreg $0xFFFFFFFF  }
0xa9: {  	s28 =	simm.s32 $_size_execute0_lowered;
	s5 =	sadd.s32 s5, s6;
	[dreg:$0x0] =	wrdreg $0x0  }
0xaa: {  	s6 =	sshll.u32 s28, $0x1;
	[dreg:$0x2] =	wrdreg s5  }
0xab: {  	[dreg:$0x3] =	wrdreg s6  }
0xac: {  	[dreg:$0x4] =	wrdreg $0xC0  }
0xad: {  	_ =	task [dreg:s9], $0x5FFFF  }
0xae: {  	[dreg:$0x1] =	wrdreg $0xFFFFFFFF  }
0xaf: {  	[dreg:$0x0] =	wrdreg $0x60  }
0xb0: {  	[dreg:$0x2] =	wrdreg s2  }
0xb1: {  	[dreg:$0x3] =	wrdreg s19  }
0xb2: {  	[dreg:$0x4] =	wrdreg s4  }
0xb3: {  	[dreg:$0x5] =	wrdreg $0x9  }
0xb4: {  	_ =	task.clear_ibuf [dreg:s9], $0x6FFFF;
	_ =	strace $0x90000046  }
0xb5: {  	s29 =	simm.s32 $0x9;
	_ =	strace $0x80000048  }
0xb6: {  	_ =	swait.ge [sflag:s29], $0x1  }
0xb7: {  	[sflag:s29] =	ssyncadd.s32 $0xFFFFFFFF  }
0xb8: {  	_ =	strace $0x90000048  }
0xb9: {  	_ =	sfence  }
0xba: {  	s30 =	sld [smem:$0x0];
	_ =	sdelay $0x2  }
0xbb: {  	s31 =	sshll.u32 s1, $0xD;
	s1 =	sshrl.u32 s1, $0x2  }
0xbc: {  	s3 =	sand.u32 $0x4000, s31;
	s1 =	sadd.s32 s1, s30  }
0xbd: {  	s0 =	sor.u32 s3, s0;
	s1 =	sshll.u32 s1, $0x11  }
0xbe: {  	s0 =	sor.u32 s1, s0  }
0xbf: {  	s0 =	sadd.s32 $0x8F2B, s0  }
0xc0: {  	[sflag:s0] =	ssyncadd.remote.s32 $0x1  }
0xc1: {  	_ =	sfence.sel $0xFFFF  }
0xc2: {  	[dreg:$0x0] =	wrdreg $0xFFFFFFFF;
	(pc) =	sbr.abs _section_cstart, $3  }
0xc3: {  	[dreg:$0x1] =	wrdreg $0xFFFFFFFF  }
0xc4: {  	_ =	task.clear_ibuf [dreg:s9], $0x2FFFF;
	_ =	strace $0x9FFFFFFF  }
0xc5: {  	(tm) =	ssettm $0x7FFFFFFF  }
tec
execute0_lowered:
.L_overlay_start_1:
0x0: {  	(tag) =	ssettag $0x1  }
0x1: {  	s1 =	rddreg [dreg:$0x0]  }
0x2: {  	s2 =	rddreg [dreg:$0x1]  }
0x3: {  	s0 =	srdreg.scid;
	s7 =	rddreg [dreg:$0x2];
	s4 =	simm.s32 $0x0  }
0x4: {  	s3 =	stileid.u32;
	s12 =	simm.s32 $0x1;
	s13 =	simm.s32 $0x800  }
0x5: {  	s14 =	simm.s32 $0x1000;
	s5 =	sand.u32 $0x1, s0;
	s0 =	rddreg [dreg:$0x3]  }
0x6: {  	s15 =	simm.s32 $0x5000;
	s16 =	simm.s32 $0x0;
	[smem:$0x7FF] =	sst s4  }
0x7: {  	s28 =	sshll.u32 s3, $0x1;
	s30 =	sshll.u32 s3, $0x3;
	s6 =	ssub.s32 $0x2, s5  }
0x8: {  	_ =	strace $0x80000047;
	s11 =	sor.u32 s5, s28;
	s29 =	sshll.u32 s5, $0x2  }
0x9: {  	s8 =	sshrl.u32 s6, $0x1;
	s5 =	ssub.s32 $0x20, s11;
	s10 =	sshll.u32 s11, $0xB  }
0xa: {  	s9 =	ssub.s32 s6, s8;
	s8 =	sor.u32 s30, s29;
	s6 =	ssub.s32 $0x30, s11  }
0xb: {  	s7 =	sadd.s32 s7, s10;
	s11 =	ssub.s32 $0x21, s11;
	s31 =	ssub.s32 $0x80, s8  }
0xc: {  	s8 =	sadd.s32 $0x10000, s7;
	s9 =	smax.u32 s9, $0x1;
	s10 =	sshrl.u32 s31, $0x2  }
.LBB2_1:
0xd: {  	[tilespmem:s4], [sflag:$0x1] =	stream.linear.gather [hbm4b:s1+s4], $0x800, $0x38;
	[tilespmem:$0x9000] =	vst v63  }
0xe: {  	_ =	swait.ge [sflag:s12], $0x800  }
0xf: {  	[sflag:s12] =	ssyncset.done $0x0  }
0x10: {  	[sflag:s12] =	ssyncadd.s32 $0xFFFFF800  }
0x11: {  	[tilespmem:s13], [sflag:$0x1] =	stream.linear.gather [hbm4b:s2+s4], $0x800, $0x38;
	[tilespmem:$0x9000] =	vst v63  }
0x12: {  	_ =	swait.ge [sflag:s12], $0x800  }
0x13: {  	s17 =	smov.u32 s11;
	[sflag:s12] =	ssyncset.done $0x0  }
0x14: {  	s18 =	smov.u32 s10;
	s19 =	simm.s32 $0x0;
	[sflag:s12] =	ssyncadd.s32 $0xFFFFF800  }
.LBB2_2:
0x15: {  	s20 =	sshll.u32 s19, $0x7  }
0x16: {  	s21 =	sadd.s32 $0x800, s20  }
0x17: {  	s22 =	sor.u32 s5, s21  }
0x18: {  	s26 =	sshll.u32 s19, $0xA;
	s21 =	sor.u32 s6, s21;
	v0 =	vld [tilespmem:s22+$0x0]  }
0x19: {  	s29 =	simm.s32 $0x0;
	s28 =	sand.u32 $0x2000, s26;
	v1 =	vld [tilespmem:s21+$0x0]  }
0x1a: {  	s20 =	sand.u32 $0x380, s20;
	s23 =	sand.u32 $0x60, s29;
	s22 =	sand.u32 $0xC00, s29  }
0x1b: {  	s20 =	sor.u32 s28, s20;
	s30 =	sor.u32 s22, s23  }
0x1c: {  	s21 =	sor.u32 s20, s30  }
0x1d: {  	s31 =	simm.s32 $0x20;
	s22 =	simm.s32 $0x100;
	[tilespmem:s21+$0x5000] =	vst v0  }
0x1e: {  	s23 =	sand.u32 $0x60, s31;
	s25 =	sand.u32 $0xC00, s22;
	[tilespmem:s21+$0x5010] =	vst v1  }
0x1f: {  	s24 =	simm.s32 $0x40;
	s25 =	sor.u32 s25, s23;
	s23 =	smov.u32 s18;
	v2 =	vld.msk [tilespmem:s18+$0x0 ss:$0x0], $0xffff  }
.LBB2_3:
0x20: {  	s25 =	sor.u32 s20, s25  }
0x21: {  	s23 =	sadd.s32 $0x1, s23;
	s26 =	smov.u32 s24;
	s28 =	sadd.s32 $0x20, s24  }
0x22: {  	p0 =	sne.s32 s24, $0x1E0;
	[tilespmem:s25+$0x5000] =	vst v0  }
0x23: {  	[tilespmem:s25+$0x5010] =	vst v1  }
.Ltmp0:
0x24: {  	[tilespmem:s21+$0x1010] =	vst v2;
	(pc) =	sbr.rel @p0 .LBB2_3-.Ltmp0, $4  }
0x25: {  	[tilespmem:s21+$0x1000] =	vst v2;
	s21 =	smov.u32 s25  }
0x26: {  	s22 =	sadd.s32 $0x100, s22;
	v2 =	vld.msk [tilespmem:s23+$0x0 ss:$0x0], $0xffff  }
0x27: {  	s24 =	sand.u32 $0x60, s26;
	s25 =	sand.u32 $0xC00, s22  }
0x28: {  	s25 =	sor.u32 s25, s24;
	s24 =	smov.u32 s28  }
0x29: {  	s22 =	sor.u32 s20, s25  }
0x2a: {  	[tilespmem:s22+$0x5000] =	vst v0  }
0x2b: {  	[tilespmem:s22+$0x5010] =	vst v1  }
0x2c: {  	[tilespmem:s21+$0x1010] =	vst v2  }
0x2d: {  	s23 =	sadd.s32 $0x1, s23;
	[tilespmem:s21+$0x1000] =	vst v2  }
0x2e: {  	v2 =	vld.msk [tilespmem:s23+$0x0 ss:$0x0], $0xffff;
	_ =	sdelay $0x2  }
0x2f: {  	s28 =	simm.s32 $0x200;
	s29 =	simm.s32 $0x1000  }
0x30: {  	s21 =	sand.u32 $0x60, s28;
	s23 =	sand.u32 $0x1C00, s29  }
0x31: {  	s21 =	sor.u32 s23, s21;
	[tilespmem:s22+$0x1010] =	vst v2  }
0x32: {  	s21 =	sor.u32 s20, s21;
	[tilespmem:s22+$0x1000] =	vst v2  }
0x33: {  	s30 =	sand.u32 $0x3FFFFF80, s11;
	[tilespmem:s21+$0x5010] =	vst v1  }
0x34: {  	s22 =	sadd.s32 s30, s17;
	[tilespmem:s21+$0x5000] =	vst v0  }
0x35: {  	v2 =	vld [tilespmem:s22+$0x0]  }
0x36: {  	s31 =	simm.s32 $0x220;
	s22 =	simm.s32 $0x1100  }
0x37: {  	s23 =	sand.u32 $0x60, s31;
	s24 =	sand.u32 $0x1C00, s22  }
0x38: {  	s23 =	sor.u32 s24, s23  }
0x39: {  	s23 =	sor.u32 s20, s23  }
0x3a: {  	s26 =	simm.s32 $0x240;
	s25 =	smov.u32 s11;
	s24 =	smov.u32 s17;
	[tilespmem:s23+$0x5010] =	vst v1;
	v2 =	vbroadcast v2, $0xF  }
.LBB2_5:
0x3b: {  	p0 =	sne.s32 s26, $0x3E0;
	[tilespmem:s23+$0x5000] =	vst v0;
	s25 =	sadd.s32 $0x1, s25  }
0x3c: {  	s24 =	sadd.s32 $0x1, s24;
	s28 =	sand.u32 $0x3FFFFF80, s25;
	[tilespmem:s21+$0x1000] =	vst v2  }
0x3d: {  	s28 =	sadd.s32 s28, s24;
	[tilespmem:s21+$0x1010] =	vst v2;
	s21 =	smov.u32 s23  }
0x3e: {  	v2 =	vld [tilespmem:s28+$0x0]  }
.Ltmp1:
0x3f: {  	s22 =	sadd.s32 $0x100, s22;
	(pc) =	sbr.rel @p0 .LBB2_5-.Ltmp1, $4  }
0x40: {  	s23 =	sand.u32 $0x60, s26;
	s28 =	sand.u32 $0x1C00, s22  }
0x41: {  	s23 =	sor.u32 s28, s23  }
0x42: {  	s23 =	sor.u32 s20, s23  }
0x43: {  	s26 =	sadd.s32 $0x20, s26;
	[tilespmem:s23+$0x5010] =	vst v1;
	v2 =	vbroadcast v2, $0xF  }
0x44: {  	[tilespmem:s23+$0x5000] =	vst v0;
	s20 =	sadd.s32 $0x1, s25  }
0x45: {  	s22 =	sadd.s32 $0x1, s24;
	s20 =	sand.u32 $0x3FFFFF80, s20;
	[tilespmem:s21+$0x1000] =	vst v2  }
0x46: {  	[tilespmem:s21+$0x1010] =	vst v2;
	s20 =	sadd.s32 s20, s22  }
0x47: {  	v0 =	vld [tilespmem:s20+$0x0];
	_ =	sdelay $0x1  }
0x48: {  	s19 =	sadd.s32 $0x1, s19  }
0x49: {  	p0 =	sne.s32 s19, $0x10  }
.Ltmp2:
0x4a: {  	_ = 	snop;
	(pc) =	sbr.rel @p0 .LBB2_2-.Ltmp2, $3  }
0x4b: {  	v0 =	vbroadcast v0, $0xF;
	_ =	sdelay $0x1  }
0x4c: {  	[tilespmem:s23+$0x1000] =	vst v0  }
0x4d: {  	s18 =	sadd.s32 $0x80, s18;
	s17 =	sadd.s32 $0x80, s17;
	[tilespmem:s23+$0x1010] =	vst v0  }
0x4e: {  	[hbm4b:s7+s4] =	stream.linear.scatter [tilespmem:s14], [sflag:$0x1], $0x4000, $0x38;
	[tilespmem:$0x9000] =	vst v63  }
0x4f: {  	s16 =	sadd.s32 $0x1, s16;
	_ =	swait.ge [sflag:s12], $0x4000  }
0x50: {  	p0 =	sne.s32 s16, s9;
	[sflag:s12] =	ssyncset.done $0x0  }
.Ltmp3:
0x51: {  	[sflag:s12] =	ssyncadd.s32 $0xFFFFC000;
	(pc) =	sbr.rel @p0 .LBB2_1-.Ltmp3, $4  }
0x52: {  	[hbm4b:s8+s4] =	stream.linear.scatter [tilespmem:s15], [sflag:$0x1], $0x4000, $0x38;
	[tilespmem:$0x9000] =	vst v63  }
0x53: {  	_ =	swait.ge [sflag:s12], $0x4000  }
0x54: {  	[sflag:s12] =	ssyncset.done $0x0  }
0x55: {  	[sflag:s12] =	ssyncadd.s32 $0xFFFFC000  }
0x56: {  	_ =	sfence.sel $0x180000  }
0x57: {  	[bflag:$0x0] =	sbarrier.arrive $0xFFFF  }
0x58: {  	p0 =	sne.s32 s3, $0x0;
	_ =	strace $0x90000047  }
0x59: {  	s0 =	sadd.s32 @!p0 $0x100000, s0;
	[bflag:$0x2] =	sbarrier.arrive $0xFFFF  }
0x5a: {  	[sflag:s0] =	ssyncadd.tile.s32 @!p0 $0x1;
	_ =	shalt  }
.Lfunc_end2:
_tile_overlayer_lowered:
.L_overlay_start_2:
0x5b: {  	(tag) =	ssettag $0x2  }
0x5c: {  	s0 =	rddreg [dreg:$0x0];
	s2 =	stileid.u32  }
0x5d: {  	s1 =	rddreg [dreg:$0x1];
	p0 =	sne.s32 s2, $0x0  }
0x5e: {  	s3 =	rddreg [dreg:$0x2];
	[bflag:$0x3] =	sbarrier.arrive $0xFFFF;
	s2 =	simm.s32 @!p0 $0x1C01  }
0x5f: {  	[timem:s3], [sflag:s2] =	dma.local @!p0 [hbm:s0], s1  }
0x60: {  	s0 =	simm.s32 @!p0 $0x1  }
0x61: {  	_ =	swait.ge @!p0 [sflag:s0], s1  }
0x62: {  	s1 =	ssub.s32 @!p0 $0x0, s1;
	[sflag:s0] =	ssyncset.done @!p0 $0x0  }
0x63: {  	[sflag:s0] =	ssyncadd.s32 @!p0 s1  }
0x64: {  	[bflag:$0x3] =	sbarrier.arrive $0xFFFF  }
0x65: {  	_ =	shalt  }

</sc_bundles>
